<compile_context>
chip_gen: v7x
topology: tpu7x:2x2x1
jax: 0.10.2.dev20260603
libtpu: 0.0.44.dev20260713+nightly
codegen_flags: <defaults>
</compile_context>

<pallas_src>
import jax
import jax.numpy as jnp
from jax.experimental import pallas as pl
from jax.experimental.pallas import tpu as pltpu
from jax.experimental.pallas import tpu_sc as plsc

D_IN = 2048
D_OUT = 2048
DEPTH = 4
N_NODES = 2 ** (DEPTH + 1) - 1
N_PAD = 128
TB = 1024


def _dot_nt(a, b):
    return jax.lax.dot_general(a, b, (((1,), (1,)), ((), ())),
                               preferred_element_type=jnp.float32)


def _logits_block(x_ref, w1_ref, l_ref):
    w1p = w1_ref[...]
    w1h = w1p.astype(jnp.bfloat16)
    rw = w1p - w1h.astype(jnp.float32)
    w1l = rw.astype(jnp.bfloat16)
    w1l2 = (rw - w1l.astype(jnp.float32)).astype(jnp.bfloat16)
    x = x_ref[...]
    xh = x.astype(jnp.bfloat16)
    r1 = x - xh.astype(jnp.float32)
    xl = r1.astype(jnp.bfloat16)
    xl2 = (r1 - xl.astype(jnp.float32)).astype(jnp.bfloat16)
    l_ref[...] = (_dot_nt(xh, w1h)
                  + (_dot_nt(xh, w1l) + _dot_nt(xl, w1h))
                  + (_dot_nt(xl, w1l) + _dot_nt(xl2, w1h) + _dot_nt(xh, w1l2)))


def _out_block(c_ref, w2_ref, o_ref):
    coef = c_ref[...]
    o_ref[...] = jax.lax.dot_general(
        coef.astype(jnp.bfloat16), w2_ref[...], (((1,), (0,)), ((), ())),
        preferred_element_type=jnp.float32)


_SC = plsc.get_sparse_core_info()
_NW = _SC.num_cores * _SC.num_subcores
_CHUNK_TOK = 256
_CHUNK_W = _CHUNK_TOK * N_PAD


def _route_kernel(l_ref, c_ref, lv, cv):
    per = l_ref.shape[0] // _NW
    wid = jax.lax.axis_index("s") * _SC.num_cores + jax.lax.axis_index("c")
    base = wid * per
    zero = jnp.zeros((16,), jnp.float32)
    lanes = jax.lax.iota(jnp.int32, 16)

    def zfull(i, c):
        cv[pl.ds(i * 16, 16)] = zero
        return c

    jax.lax.fori_loop(0, _CHUNK_W // 16, zfull, 0)

    def zrow(i, c):
        cv[pl.ds(i * N_PAD, 16)] = zero
        cv[pl.ds(i * N_PAD + 16, 16)] = zero
        return c

    def gbody(g, c):
        tok = g * 16 + lanes
        row = tok * N_PAD
        node = jnp.zeros((16,), jnp.int32)
        for _ in range(DEPTH + 1):
            idx = row + node
            l = plsc.load_gather(lv, [idx])
            plsc.store_scatter(cv, [idx], jnp.maximum(l, 0.0))
            node = 2 * node + 1 + (l > 0).astype(jnp.int32)
        return c

    for ch in range(per // _CHUNK_W):
        off = base + ch * _CHUNK_W
        pltpu.sync_copy(l_ref.at[pl.ds(off, _CHUNK_W)], lv)
        if ch:
            jax.lax.fori_loop(0, _CHUNK_TOK, zrow, 0)
        jax.lax.fori_loop(0, _CHUNK_TOK // 16, gbody, 0)
        pltpu.sync_copy(cv, c_ref.at[pl.ds(off, _CHUNK_W)])


def kernel(x, W1, W2):
    b = x.shape[0] * x.shape[1]
    xf = x.reshape(b, D_IN)
    w1p = jnp.pad(W1, ((0, N_PAD - N_NODES), (0, 0)))
    w2p = jnp.pad(W2, ((0, N_PAD - N_NODES), (0, 0))).astype(jnp.bfloat16)

    logits = pl.pallas_call(
        _logits_block,
        grid=(b // TB,),
        in_specs=[
            pl.BlockSpec((TB, D_IN), lambda i: (i, 0)),
            pl.BlockSpec((N_PAD, D_IN), lambda i: (0, 0)),
        ],
        out_specs=pl.BlockSpec((TB, N_PAD), lambda i: (i, 0)),
        out_shape=jax.ShapeDtypeStruct((b, N_PAD), jnp.float32),
    )(xf, w1p)

    mesh = plsc.VectorSubcoreMesh(core_axis_name="c", subcore_axis_name="s")
    coef = pl.kernel(
        _route_kernel,
        out_type=jax.ShapeDtypeStruct((b * N_PAD,), jnp.float32),
        mesh=mesh,
        compiler_params=pltpu.CompilerParams(needs_layout_passes=False),
        scratch_types=[
            pltpu.VMEM((_CHUNK_W,), jnp.float32),
            pltpu.VMEM((_CHUNK_W,), jnp.float32),
        ],
    )(logits.reshape(b * N_PAD))

    return pl.pallas_call(
        _out_block,
        grid=(b // TB,),
        in_specs=[
            pl.BlockSpec((TB, N_PAD), lambda i: (i, 0)),
            pl.BlockSpec((N_PAD, D_OUT), lambda i: (0, 0)),
        ],
        out_specs=pl.BlockSpec((TB, D_OUT), lambda i: (i, 0)),
        out_shape=jax.ShapeDtypeStruct((b, D_OUT), jnp.float32),
    )(coef.reshape(b, N_PAD), w2p)

# --- scband reference (transcript-rebuilt; emitter-appended) ---
"""Pipeline reference for scband-fffinference-73169062855234 (READ-ONLY COPY).

The authoritative reference and input builder live on the scoring server;
editing this copy changes nothing except your own understanding.
"""

import jax, jax.numpy as jnp
import numpy as np

INPUT_WIDTH = 2048
OUTPUT_WIDTH = 2048
DEPTH = 4
N_NODES = 2 ** (DEPTH + 1) - 1


def setup_inputs(seed: int = 0) -> dict:
    key = jax.random.key(seed)
    k1, k2, k3 = jax.random.split(key, 3)
    x = jax.random.normal(k1, (2, 8192, INPUT_WIDTH), dtype=jnp.float32)
    W1 = jax.random.normal(k2, (N_NODES, INPUT_WIDTH), dtype=jnp.float32) * (1.0 / np.sqrt(INPUT_WIDTH))
    W2 = jax.random.normal(k3, (N_NODES, OUTPUT_WIDTH), dtype=jnp.float32) * (1.0 / np.sqrt(N_NODES))
    return {"x": x, "W1": W1, "W2": W2}


def reference(x, W1, W2):
    # Fast FeedForward (FFF) inference: each token walks a binary tree of depth
    # DEPTH (n_nodes = 2**(DEPTH+1)-1). At each visited node n it computes
    # logit = <x, W1[n]>, accumulates relu(logit) * W2[n] into the output, and
    # branches left/right on sign(logit). Faithful to the fff_l1 kernel.
    xf = x.reshape(-1, INPUT_WIDTH)
    B = xf.shape[0]
    node = jnp.zeros((B,), dtype=jnp.int32)
    out = jnp.zeros((B, OUTPUT_WIDTH), dtype=jnp.float32)
    for _ in range(DEPTH + 1):
        w_in = jnp.take(W1, node, axis=0)          # gather [B, d_in]
        logit = jnp.sum(xf * w_in, axis=1)          # [B]
        act = jax.nn.relu(logit)
        w_out = jnp.take(W2, node, axis=0)          # gather [B, d_out]
        out = out + act[:, None] * w_out
        node = 2 * node + 1 + (logit > 0).astype(jnp.int32)
    return out

if __name__ == "__main__":
    import jax
    _d = setup_inputs()
    print(jax.jit(kernel)(*tuple(_d.values())))

</pallas_src>

<mosaic_0001>
#map = affine_map<(d0, d1) -> (0)>
module attributes {stable_mosaic.version = 14 : i64} {
  func.func @_route_kernel(%arg0: i32, %arg1: i32, %arg2: memref<2097152xf32, #tpu.memory_space<hbm>>, %arg3: memref<2097152xf32, #tpu.memory_space<hbm>>, %arg4: memref<32768xf32, #tpu.memory_space<vmem>>, %arg5: memref<32768xf32, #tpu.memory_space<vmem>>) attributes {dimension_semantics = [#tpu.dimension_semantics<core_parallel>, #tpu.dimension_semantics<subcore_parallel>], iteration_bounds = array<i64: 2, 16>, scalar_prefetch = 0 : i64, scratch_operands = 2 : i64, tpu.core_type = #tpu.core_type<sc_vector_subcore>, window_params = [{transform_indices = #map}, {transform_indices = #map}]} {
    %mul3A = arith.constant 2 : i32
    %mul3A_0 = arith.muli %arg1, %mul3A : i32
    %add3A = arith.addi %mul3A_0, %arg0 : i32
    %mul3A_1 = arith.constant 65536 : i32
    %mul3A_2 = arith.muli %add3A, %mul3A_1 : i32
    %broadcast_in_dim3A = arith.constant 0.000000e+00 : f32
    %broadcast_in_dim3A_3 = vector.broadcast %broadcast_in_dim3A : f32 to vector<16xf32>
    %iota3A = tpu.iota {dimensions = array<i32: 0>} : vector<16xi32>
    %scan3A = arith.constant 0 : i32
    %scan3A_4 = arith.constant 0 : i32
    %scan3A_5 = arith.constant 2048 : i32
    %scan3A_6 = arith.addi %scan3A_4, %scan3A_5 : i32
    %scan3A_7 = arith.constant 1 : i32
    scf.for %scan3A_31 = %scan3A_4 to %scan3A_6 step %scan3A_7  : i32 {
      %mul3A_32 = arith.constant 16 : i32
      %mul3A_33 = arith.muli %scan3A_31, %mul3A_32 : i32
      %swap3A = arith.index_cast %mul3A_33 : i32 to index
      %swap3A_34 = tpu.vector_load %arg5[%swap3A] {strides = array<i32>} : memref<32768xf32, #tpu.memory_space<vmem>>, vector<16xf32>,
      tpu.vector_store %arg5[%swap3A], %broadcast_in_dim3A_3 {strides = array<i32>} : memref<32768xf32, #tpu.memory_space<vmem>>, vector<16xf32>,
    }
    %scan3A_8 = arith.constant 2048 : i32
    %add3A_9 = arith.constant 0 : i32
    %add3A_10 = arith.addi %mul3A_2, %add3A_9 : i32
    "tpu.region"() ({
      %run_scoped3A = tpu.sem_alloc : memref<!tpu.dma_semaphore, #tpu.memory_space<semaphore_mem>>
      %dma_start3A = tpu.memref_slice %arg2[%add3A_10] : memref<2097152xf32, #tpu.memory_space<hbm>> -> memref<32768xf32, #tpu.memory_space<hbm>>
      %dma_start3A_31 = tpu.memref_slice %arg2[%add3A_10] : memref<2097152xf32, #tpu.memory_space<hbm>> -> memref<32768xf32, #tpu.memory_space<hbm>>
      tpu.enqueue_dma source(%dma_start3A_31 : memref<32768xf32, #tpu.memory_space<hbm>>) target(%arg4 : memref<32768xf32, #tpu.memory_space<vmem>>) target_semaphore(%run_scoped3A : memref<!tpu.dma_semaphore, #tpu.memory_space<semaphore_mem>>)
      %dma_wait3A = tpu.memref_slice %arg2[%add3A_10] : memref<2097152xf32, #tpu.memory_space<hbm>> -> memref<32768xf32, #tpu.memory_space<hbm>>
      %dma_wait3A_32 = tpu.memref_slice %arg2[%add3A_10] : memref<2097152xf32, #tpu.memory_space<hbm>> -> memref<32768xf32, #tpu.memory_space<hbm>>
      tpu.wait_dma2 semaphore(%run_scoped3A : memref<!tpu.dma_semaphore, #tpu.memory_space<semaphore_mem>>) src(%dma_wait3A_32 : memref<32768xf32, #tpu.memory_space<hbm>>) dst(%arg4 : memref<32768xf32, #tpu.memory_space<vmem>>)
      tpu.yield
    }) : () -> ()
    %scan3A_11 = arith.constant 0 : i32
    %scan3A_12 = arith.constant 0 : i32
    %scan3A_13 = arith.constant 16 : i32
    %scan3A_14 = arith.addi %scan3A_12, %scan3A_13 : i32
    %scan3A_15 = arith.constant 1 : i32
    scf.for %scan3A_31 = %scan3A_12 to %scan3A_14 step %scan3A_15  : i32 {
      %mul3A_32 = arith.constant 16 : i32
      %mul3A_33 = arith.muli %scan3A_31, %mul3A_32 : i32
      %add3A_34 = vector.broadcast %mul3A_33 : i32 to vector<16xi32>
      %add3A_35 = arith.addi %add3A_34, %iota3A : vector<16xi32>
      %mul3A_36 = arith.constant 128 : i32
      %mul3A_37 = vector.broadcast %mul3A_36 : i32 to vector<16xi32>
      %mul3A_38 = arith.muli %add3A_35, %mul3A_37 : vector<16xi32>
      %broadcast_in_dim3A_39 = arith.constant 0 : i32
      %broadcast_in_dim3A_40 = vector.broadcast %broadcast_in_dim3A_39 : i32 to vector<16xi32>
      %add3A_41 = arith.addi %mul3A_38, %broadcast_in_dim3A_40 : vector<16xi32>
      %gather3A = tpu.vector_load_idx %arg4[%add3A_41] : memref<32768xf32, #tpu.memory_space<vmem>>[vector<16xi32>], vector<16xf32>,
      %max3A = arith.constant 0.000000e+00 : f32
      %max3A_42 = vector.broadcast %max3A : f32 to vector<16xf32>
      %max3A_43 = arith.maximumf %gather3A, %max3A_42 : vector<16xf32>
      tpu.vector_store_idx %arg5[%add3A_41], %max3A_43 : memref<32768xf32, #tpu.memory_space<vmem>>[vector<16xi32>], vector<16xf32>,
      %mul3A_44 = arith.constant 2 : i32
      %mul3A_45 = vector.broadcast %mul3A_44 : i32 to vector<16xi32>
      %mul3A_46 = arith.muli %mul3A_45, %broadcast_in_dim3A_40 : vector<16xi32>
      %add3A_47 = arith.constant 1 : i32
      %add3A_48 = vector.broadcast %add3A_47 : i32 to vector<16xi32>
      %add3A_49 = arith.addi %mul3A_46, %add3A_48 : vector<16xi32>
      %gt3A = arith.constant 0.000000e+00 : f32
      %gt3A_50 = vector.broadcast %gt3A : f32 to vector<16xf32>
      %gt3A_51 = arith.cmpf ogt, %gather3A, %gt3A_50 : vector<16xf32>
      %convert_element_type3A = arith.extui %gt3A_51 : vector<16xi1> to vector<16xi32>
      %add3A_52 = arith.addi %add3A_49, %convert_element_type3A : vector<16xi32>
      %add3A_53 = arith.addi %mul3A_38, %add3A_52 : vector<16xi32>
      %gather3A_54 = tpu.vector_load_idx %arg4[%add3A_53] : memref<32768xf32, #tpu.memory_space<vmem>>[vector<16xi32>], vector<16xf32>,
      %max3A_55 = arith.constant 0.000000e+00 : f32
      %max3A_56 = vector.broadcast %max3A_55 : f32 to vector<16xf32>
      %max3A_57 = arith.maximumf %gather3A_54, %max3A_56 : vector<16xf32>
      tpu.vector_store_idx %arg5[%add3A_53], %max3A_57 : memref<32768xf32, #tpu.memory_space<vmem>>[vector<16xi32>], vector<16xf32>,
      %mul3A_58 = arith.constant 2 : i32
      %mul3A_59 = vector.broadcast %mul3A_58 : i32 to vector<16xi32>
      %mul3A_60 = arith.muli %mul3A_59, %add3A_52 : vector<16xi32>
      %add3A_61 = arith.constant 1 : i32
      %add3A_62 = vector.broadcast %add3A_61 : i32 to vector<16xi32>
      %add3A_63 = arith.addi %mul3A_60, %add3A_62 : vector<16xi32>
      %gt3A_64 = arith.constant 0.000000e+00 : f32
      %gt3A_65 = vector.broadcast %gt3A_64 : f32 to vector<16xf32>
      %gt3A_66 = arith.cmpf ogt, %gather3A_54, %gt3A_65 : vector<16xf32>
      %convert_element_type3A_67 = arith.extui %gt3A_66 : vector<16xi1> to vector<16xi32>
      %add3A_68 = arith.addi %add3A_63, %convert_element_type3A_67 : vector<16xi32>
      %add3A_69 = arith.addi %mul3A_38, %add3A_68 : vector<16xi32>
      %gather3A_70 = tpu.vector_load_idx %arg4[%add3A_69] : memref<32768xf32, #tpu.memory_space<vmem>>[vector<16xi32>], vector<16xf32>,
      %max3A_71 = arith.constant 0.000000e+00 : f32
      %max3A_72 = vector.broadcast %max3A_71 : f32 to vector<16xf32>
      %max3A_73 = arith.maximumf %gather3A_70, %max3A_72 : vector<16xf32>
      tpu.vector_store_idx %arg5[%add3A_69], %max3A_73 : memref<32768xf32, #tpu.memory_space<vmem>>[vector<16xi32>], vector<16xf32>,
      %mul3A_74 = arith.constant 2 : i32
      %mul3A_75 = vector.broadcast %mul3A_74 : i32 to vector<16xi32>
      %mul3A_76 = arith.muli %mul3A_75, %add3A_68 : vector<16xi32>
      %add3A_77 = arith.constant 1 : i32
      %add3A_78 = vector.broadcast %add3A_77 : i32 to vector<16xi32>
      %add3A_79 = arith.addi %mul3A_76, %add3A_78 : vector<16xi32>
      %gt3A_80 = arith.constant 0.000000e+00 : f32
      %gt3A_81 = vector.broadcast %gt3A_80 : f32 to vector<16xf32>
      %gt3A_82 = arith.cmpf ogt, %gather3A_70, %gt3A_81 : vector<16xf32>
      %convert_element_type3A_83 = arith.extui %gt3A_82 : vector<16xi1> to vector<16xi32>
      %add3A_84 = arith.addi %add3A_79, %convert_element_type3A_83 : vector<16xi32>
      %add3A_85 = arith.addi %mul3A_38, %add3A_84 : vector<16xi32>
      %gather3A_86 = tpu.vector_load_idx %arg4[%add3A_85] : memref<32768xf32, #tpu.memory_space<vmem>>[vector<16xi32>], vector<16xf32>,
      %max3A_87 = arith.constant 0.000000e+00 : f32
      %max3A_88 = vector.broadcast %max3A_87 : f32 to vector<16xf32>
      %max3A_89 = arith.maximumf %gather3A_86, %max3A_88 : vector<16xf32>
      tpu.vector_store_idx %arg5[%add3A_85], %max3A_89 : memref<32768xf32, #tpu.memory_space<vmem>>[vector<16xi32>], vector<16xf32>,
      %mul3A_90 = arith.constant 2 : i32
      %mul3A_91 = vector.broadcast %mul3A_90 : i32 to vector<16xi32>
      %mul3A_92 = arith.muli %mul3A_91, %add3A_84 : vector<16xi32>
      %add3A_93 = arith.constant 1 : i32
      %add3A_94 = vector.broadcast %add3A_93 : i32 to vector<16xi32>
      %add3A_95 = arith.addi %mul3A_92, %add3A_94 : vector<16xi32>
      %gt3A_96 = arith.constant 0.000000e+00 : f32
      %gt3A_97 = vector.broadcast %gt3A_96 : f32 to vector<16xf32>
      %gt3A_98 = arith.cmpf ogt, %gather3A_86, %gt3A_97 : vector<16xf32>
      %convert_element_type3A_99 = arith.extui %gt3A_98 : vector<16xi1> to vector<16xi32>
      %add3A_100 = arith.addi %add3A_95, %convert_element_type3A_99 : vector<16xi32>
      %add3A_101 = arith.addi %mul3A_38, %add3A_100 : vector<16xi32>
      %gather3A_102 = tpu.vector_load_idx %arg4[%add3A_101] : memref<32768xf32, #tpu.memory_space<vmem>>[vector<16xi32>], vector<16xf32>,
      %max3A_103 = arith.constant 0.000000e+00 : f32
      %max3A_104 = vector.broadcast %max3A_103 : f32 to vector<16xf32>
      %max3A_105 = arith.maximumf %gather3A_102, %max3A_104 : vector<16xf32>
      tpu.vector_store_idx %arg5[%add3A_101], %max3A_105 : memref<32768xf32, #tpu.memory_space<vmem>>[vector<16xi32>], vector<16xf32>,
      %mul3A_106 = arith.constant 2 : i32
      %mul3A_107 = vector.broadcast %mul3A_106 : i32 to vector<16xi32>
      %mul3A_108 = arith.muli %mul3A_107, %add3A_100 : vector<16xi32>
      %add3A_109 = arith.constant 1 : i32
      %add3A_110 = vector.broadcast %add3A_109 : i32 to vector<16xi32>
      %add3A_111 = arith.addi %mul3A_108, %add3A_110 : vector<16xi32>
      %gt3A_112 = arith.constant 0.000000e+00 : f32
      %gt3A_113 = vector.broadcast %gt3A_112 : f32 to vector<16xf32>
      %gt3A_114 = arith.cmpf ogt, %gather3A_102, %gt3A_113 : vector<16xf32>
      %convert_element_type3A_115 = arith.extui %gt3A_114 : vector<16xi1> to vector<16xi32>
      %add3A_116 = arith.addi %add3A_111, %convert_element_type3A_115 : vector<16xi32>
    }
    %scan3A_16 = arith.constant 16 : i32
    "tpu.region"() ({
      %run_scoped3A = tpu.sem_alloc : memref<!tpu.dma_semaphore, #tpu.memory_space<semaphore_mem>>
      %dma_start3A = tpu.memref_slice %arg3[%add3A_10] : memref<2097152xf32, #tpu.memory_space<hbm>> -> memref<32768xf32, #tpu.memory_space<hbm>>
      %dma_start3A_31 = tpu.memref_slice %arg3[%add3A_10] : memref<2097152xf32, #tpu.memory_space<hbm>> -> memref<32768xf32, #tpu.memory_space<hbm>>
      tpu.enqueue_dma source(%arg5 : memref<32768xf32, #tpu.memory_space<vmem>>) target(%dma_start3A_31 : memref<32768xf32, #tpu.memory_space<hbm>>) target_semaphore(%run_scoped3A : memref<!tpu.dma_semaphore, #tpu.memory_space<semaphore_mem>>)
      %dma_wait3A = tpu.memref_slice %arg3[%add3A_10] : memref<2097152xf32, #tpu.memory_space<hbm>> -> memref<32768xf32, #tpu.memory_space<hbm>>
      %dma_wait3A_32 = tpu.memref_slice %arg3[%add3A_10] : memref<2097152xf32, #tpu.memory_space<hbm>> -> memref<32768xf32, #tpu.memory_space<hbm>>
      tpu.wait_dma2 semaphore(%run_scoped3A : memref<!tpu.dma_semaphore, #tpu.memory_space<semaphore_mem>>) src(%arg5 : memref<32768xf32, #tpu.memory_space<vmem>>) dst(%dma_wait3A_32 : memref<32768xf32, #tpu.memory_space<hbm>>)
      tpu.yield
    }) : () -> ()
    %add3A_17 = arith.constant 32768 : i32
    %add3A_18 = arith.addi %mul3A_2, %add3A_17 : i32
    "tpu.region"() ({
      %run_scoped3A = tpu.sem_alloc : memref<!tpu.dma_semaphore, #tpu.memory_space<semaphore_mem>>
      %dma_start3A = tpu.memref_slice %arg2[%add3A_18] : memref<2097152xf32, #tpu.memory_space<hbm>> -> memref<32768xf32, #tpu.memory_space<hbm>>
      %dma_start3A_31 = tpu.memref_slice %arg2[%add3A_18] : memref<2097152xf32, #tpu.memory_space<hbm>> -> memref<32768xf32, #tpu.memory_space<hbm>>
      tpu.enqueue_dma source(%dma_start3A_31 : memref<32768xf32, #tpu.memory_space<hbm>>) target(%arg4 : memref<32768xf32, #tpu.memory_space<vmem>>) target_semaphore(%run_scoped3A : memref<!tpu.dma_semaphore, #tpu.memory_space<semaphore_mem>>)
      %dma_wait3A = tpu.memref_slice %arg2[%add3A_18] : memref<2097152xf32, #tpu.memory_space<hbm>> -> memref<32768xf32, #tpu.memory_space<hbm>>
      %dma_wait3A_32 = tpu.memref_slice %arg2[%add3A_18] : memref<2097152xf32, #tpu.memory_space<hbm>> -> memref<32768xf32, #tpu.memory_space<hbm>>
      tpu.wait_dma2 semaphore(%run_scoped3A : memref<!tpu.dma_semaphore, #tpu.memory_space<semaphore_mem>>) src(%dma_wait3A_32 : memref<32768xf32, #tpu.memory_space<hbm>>) dst(%arg4 : memref<32768xf32, #tpu.memory_space<vmem>>)
      tpu.yield
    }) : () -> ()
    %scan3A_19 = arith.constant 0 : i32
    %scan3A_20 = arith.constant 0 : i32
    %scan3A_21 = arith.constant 256 : i32
    %scan3A_22 = arith.addi %scan3A_20, %scan3A_21 : i32
    %scan3A_23 = arith.constant 1 : i32
    scf.for %scan3A_31 = %scan3A_20 to %scan3A_22 step %scan3A_23  : i32 {
      %mul3A_32 = arith.constant 128 : i32
      %mul3A_33 = arith.muli %scan3A_31, %mul3A_32 : i32
      %swap3A = arith.index_cast %mul3A_33 : i32 to index
      %swap3A_34 = tpu.vector_load %arg5[%swap3A] {strides = array<i32>} : memref<32768xf32, #tpu.memory_space<vmem>>, vector<16xf32>,
      tpu.vector_store %arg5[%swap3A], %broadcast_in_dim3A_3 {strides = array<i32>} : memref<32768xf32, #tpu.memory_space<vmem>>, vector<16xf32>,
      %mul3A_35 = arith.constant 128 : i32
      %mul3A_36 = arith.muli %scan3A_31, %mul3A_35 : i32
      %add3A_37 = arith.constant 16 : i32
      %add3A_38 = arith.addi %mul3A_36, %add3A_37 : i32
      %swap3A_39 = arith.index_cast %add3A_38 : i32 to index
      %swap3A_40 = tpu.vector_load %arg5[%swap3A_39] {strides = array<i32>} : memref<32768xf32, #tpu.memory_space<vmem>>, vector<16xf32>,
      tpu.vector_store %arg5[%swap3A_39], %broadcast_in_dim3A_3 {strides = array<i32>} : memref<32768xf32, #tpu.memory_space<vmem>>, vector<16xf32>,
    }
    %scan3A_24 = arith.constant 256 : i32
    %scan3A_25 = arith.constant 0 : i32
    %scan3A_26 = arith.constant 0 : i32
    %scan3A_27 = arith.constant 16 : i32
    %scan3A_28 = arith.addi %scan3A_26, %scan3A_27 : i32
    %scan3A_29 = arith.constant 1 : i32
    scf.for %scan3A_31 = %scan3A_26 to %scan3A_28 step %scan3A_29  : i32 {
      %mul3A_32 = arith.constant 16 : i32
      %mul3A_33 = arith.muli %scan3A_31, %mul3A_32 : i32
      %add3A_34 = vector.broadcast %mul3A_33 : i32 to vector<16xi32>
      %add3A_35 = arith.addi %add3A_34, %iota3A : vector<16xi32>
      %mul3A_36 = arith.constant 128 : i32
      %mul3A_37 = vector.broadcast %mul3A_36 : i32 to vector<16xi32>
      %mul3A_38 = arith.muli %add3A_35, %mul3A_37 : vector<16xi32>
      %broadcast_in_dim3A_39 = arith.constant 0 : i32
      %broadcast_in_dim3A_40 = vector.broadcast %broadcast_in_dim3A_39 : i32 to vector<16xi32>
      %add3A_41 = arith.addi %mul3A_38, %broadcast_in_dim3A_40 : vector<16xi32>
      %gather3A = tpu.vector_load_idx %arg4[%add3A_41] : memref<32768xf32, #tpu.memory_space<vmem>>[vector<16xi32>], vector<16xf32>,
      %max3A = arith.constant 0.000000e+00 : f32
      %max3A_42 = vector.broadcast %max3A : f32 to vector<16xf32>
      %max3A_43 = arith.maximumf %gather3A, %max3A_42 : vector<16xf32>
      tpu.vector_store_idx %arg5[%add3A_41], %max3A_43 : memref<32768xf32, #tpu.memory_space<vmem>>[vector<16xi32>], vector<16xf32>,
      %mul3A_44 = arith.constant 2 : i32
      %mul3A_45 = vector.broadcast %mul3A_44 : i32 to vector<16xi32>
      %mul3A_46 = arith.muli %mul3A_45, %broadcast_in_dim3A_40 : vector<16xi32>
      %add3A_47 = arith.constant 1 : i32
      %add3A_48 = vector.broadcast %add3A_47 : i32 to vector<16xi32>
      %add3A_49 = arith.addi %mul3A_46, %add3A_48 : vector<16xi32>
      %gt3A = arith.constant 0.000000e+00 : f32
      %gt3A_50 = vector.broadcast %gt3A : f32 to vector<16xf32>
      %gt3A_51 = arith.cmpf ogt, %gather3A, %gt3A_50 : vector<16xf32>
      %convert_element_type3A = arith.extui %gt3A_51 : vector<16xi1> to vector<16xi32>
      %add3A_52 = arith.addi %add3A_49, %convert_element_type3A : vector<16xi32>
      %add3A_53 = arith.addi %mul3A_38, %add3A_52 : vector<16xi32>
      %gather3A_54 = tpu.vector_load_idx %arg4[%add3A_53] : memref<32768xf32, #tpu.memory_space<vmem>>[vector<16xi32>], vector<16xf32>,
      %max3A_55 = arith.constant 0.000000e+00 : f32
      %max3A_56 = vector.broadcast %max3A_55 : f32 to vector<16xf32>
      %max3A_57 = arith.maximumf %gather3A_54, %max3A_56 : vector<16xf32>
      tpu.vector_store_idx %arg5[%add3A_53], %max3A_57 : memref<32768xf32, #tpu.memory_space<vmem>>[vector<16xi32>], vector<16xf32>,
      %mul3A_58 = arith.constant 2 : i32
      %mul3A_59 = vector.broadcast %mul3A_58 : i32 to vector<16xi32>
      %mul3A_60 = arith.muli %mul3A_59, %add3A_52 : vector<16xi32>
      %add3A_61 = arith.constant 1 : i32
      %add3A_62 = vector.broadcast %add3A_61 : i32 to vector<16xi32>
      %add3A_63 = arith.addi %mul3A_60, %add3A_62 : vector<16xi32>
      %gt3A_64 = arith.constant 0.000000e+00 : f32
      %gt3A_65 = vector.broadcast %gt3A_64 : f32 to vector<16xf32>
      %gt3A_66 = arith.cmpf ogt, %gather3A_54, %gt3A_65 : vector<16xf32>
      %convert_element_type3A_67 = arith.extui %gt3A_66 : vector<16xi1> to vector<16xi32>
      %add3A_68 = arith.addi %add3A_63, %convert_element_type3A_67 : vector<16xi32>
      %add3A_69 = arith.addi %mul3A_38, %add3A_68 : vector<16xi32>
      %gather3A_70 = tpu.vector_load_idx %arg4[%add3A_69] : memref<32768xf32, #tpu.memory_space<vmem>>[vector<16xi32>], vector<16xf32>,
      %max3A_71 = arith.constant 0.000000e+00 : f32
      %max3A_72 = vector.broadcast %max3A_71 : f32 to vector<16xf32>
      %max3A_73 = arith.maximumf %gather3A_70, %max3A_72 : vector<16xf32>
      tpu.vector_store_idx %arg5[%add3A_69], %max3A_73 : memref<32768xf32, #tpu.memory_space<vmem>>[vector<16xi32>], vector<16xf32>,
      %mul3A_74 = arith.constant 2 : i32
      %mul3A_75 = vector.broadcast %mul3A_74 : i32 to vector<16xi32>
      %mul3A_76 = arith.muli %mul3A_75, %add3A_68 : vector<16xi32>
      %add3A_77 = arith.constant 1 : i32
      %add3A_78 = vector.broadcast %add3A_77 : i32 to vector<16xi32>
      %add3A_79 = arith.addi %mul3A_76, %add3A_78 : vector<16xi32>
      %gt3A_80 = arith.constant 0.000000e+00 : f32
      %gt3A_81 = vector.broadcast %gt3A_80 : f32 to vector<16xf32>
      %gt3A_82 = arith.cmpf ogt, %gather3A_70, %gt3A_81 : vector<16xf32>
      %convert_element_type3A_83 = arith.extui %gt3A_82 : vector<16xi1> to vector<16xi32>
      %add3A_84 = arith.addi %add3A_79, %convert_element_type3A_83 : vector<16xi32>
      %add3A_85 = arith.addi %mul3A_38, %add3A_84 : vector<16xi32>
      %gather3A_86 = tpu.vector_load_idx %arg4[%add3A_85] : memref<32768xf32, #tpu.memory_space<vmem>>[vector<16xi32>], vector<16xf32>,
      %max3A_87 = arith.constant 0.000000e+00 : f32
      %max3A_88 = vector.broadcast %max3A_87 : f32 to vector<16xf32>
      %max3A_89 = arith.maximumf %gather3A_86, %max3A_88 : vector<16xf32>
      tpu.vector_store_idx %arg5[%add3A_85], %max3A_89 : memref<32768xf32, #tpu.memory_space<vmem>>[vector<16xi32>], vector<16xf32>,
      %mul3A_90 = arith.constant 2 : i32
      %mul3A_91 = vector.broadcast %mul3A_90 : i32 to vector<16xi32>
      %mul3A_92 = arith.muli %mul3A_91, %add3A_84 : vector<16xi32>
      %add3A_93 = arith.constant 1 : i32
      %add3A_94 = vector.broadcast %add3A_93 : i32 to vector<16xi32>
      %add3A_95 = arith.addi %mul3A_92, %add3A_94 : vector<16xi32>
      %gt3A_96 = arith.constant 0.000000e+00 : f32
      %gt3A_97 = vector.broadcast %gt3A_96 : f32 to vector<16xf32>
      %gt3A_98 = arith.cmpf ogt, %gather3A_86, %gt3A_97 : vector<16xf32>
      %convert_element_type3A_99 = arith.extui %gt3A_98 : vector<16xi1> to vector<16xi32>
      %add3A_100 = arith.addi %add3A_95, %convert_element_type3A_99 : vector<16xi32>
      %add3A_101 = arith.addi %mul3A_38, %add3A_100 : vector<16xi32>
      %gather3A_102 = tpu.vector_load_idx %arg4[%add3A_101] : memref<32768xf32, #tpu.memory_space<vmem>>[vector<16xi32>], vector<16xf32>,
      %max3A_103 = arith.constant 0.000000e+00 : f32
      %max3A_104 = vector.broadcast %max3A_103 : f32 to vector<16xf32>
      %max3A_105 = arith.maximumf %gather3A_102, %max3A_104 : vector<16xf32>
      tpu.vector_store_idx %arg5[%add3A_101], %max3A_105 : memref<32768xf32, #tpu.memory_space<vmem>>[vector<16xi32>], vector<16xf32>,
      %mul3A_106 = arith.constant 2 : i32
      %mul3A_107 = vector.broadcast %mul3A_106 : i32 to vector<16xi32>
      %mul3A_108 = arith.muli %mul3A_107, %add3A_100 : vector<16xi32>
      %add3A_109 = arith.constant 1 : i32
      %add3A_110 = vector.broadcast %add3A_109 : i32 to vector<16xi32>
      %add3A_111 = arith.addi %mul3A_108, %add3A_110 : vector<16xi32>
      %gt3A_112 = arith.constant 0.000000e+00 : f32
      %gt3A_113 = vector.broadcast %gt3A_112 : f32 to vector<16xf32>
      %gt3A_114 = arith.cmpf ogt, %gather3A_102, %gt3A_113 : vector<16xf32>
      %convert_element_type3A_115 = arith.extui %gt3A_114 : vector<16xi1> to vector<16xi32>
      %add3A_116 = arith.addi %add3A_111, %convert_element_type3A_115 : vector<16xi32>
    }
    %scan3A_30 = arith.constant 16 : i32
    "tpu.region"() ({
      %run_scoped3A = tpu.sem_alloc : memref<!tpu.dma_semaphore, #tpu.memory_space<semaphore_mem>>
      %dma_start3A = tpu.memref_slice %arg3[%add3A_18] : memref<2097152xf32, #tpu.memory_space<hbm>> -> memref<32768xf32, #tpu.memory_space<hbm>>
      %dma_start3A_31 = tpu.memref_slice %arg3[%add3A_18] : memref<2097152xf32, #tpu.memory_space<hbm>> -> memref<32768xf32, #tpu.memory_space<hbm>>
      tpu.enqueue_dma source(%arg5 : memref<32768xf32, #tpu.memory_space<vmem>>) target(%dma_start3A_31 : memref<32768xf32, #tpu.memory_space<hbm>>) target_semaphore(%run_scoped3A : memref<!tpu.dma_semaphore, #tpu.memory_space<semaphore_mem>>)
      %dma_wait3A = tpu.memref_slice %arg3[%add3A_18] : memref<2097152xf32, #tpu.memory_space<hbm>> -> memref<32768xf32, #tpu.memory_space<hbm>>
      %dma_wait3A_32 = tpu.memref_slice %arg3[%add3A_18] : memref<2097152xf32, #tpu.memory_space<hbm>> -> memref<32768xf32, #tpu.memory_space<hbm>>
      tpu.wait_dma2 semaphore(%run_scoped3A : memref<!tpu.dma_semaphore, #tpu.memory_space<semaphore_mem>>) src(%arg5 : memref<32768xf32, #tpu.memory_space<vmem>>) dst(%dma_wait3A_32 : memref<32768xf32, #tpu.memory_space<hbm>>)
      tpu.yield
    }) : () -> ()
    return
  }
}

module attributes {stable_mosaic.version = 14 : i64} {
  func.func @_logits_block(%arg0: i32, %arg1: memref<1024x2048xf32, #tpu.memory_space<vmem>>, %arg2: memref<128x2048xf32, #tpu.memory_space<vmem>>, %arg3: memref<1024x128xf32, #tpu.memory_space<vmem>>) attributes {dimension_semantics = [#tpu.dimension_semantics<arbitrary>], iteration_bounds = array<i64: 16>, scalar_prefetch = 0 : i64, scratch_operands = 0 : i64, tpu.core_type = #tpu.core_type<tc>, window_params = [{transform_indices = @transform_0, window_bounds = array<i64: 1024, 2048>}, {pipeline_mode = #tpu.pipeline_mode<synchronous>, transform_indices = @transform_1, window_bounds = array<i64: 128, 2048>}, {transform_indices = @transform_2, window_bounds = array<i64: 1024, 128>}]} {
    %get3A = arith.constant 0 : index
    %get3A_0 = arith.constant 0 : index
    %get3A_1 = vector.load %arg2[%get3A, %get3A_0] : memref<128x2048xf32, #tpu.memory_space<vmem>>, vector<128x2048xf32>
    %convert_element_type3A = arith.truncf %get3A_1 : vector<128x2048xf32> to vector<128x2048xbf16>
    %convert_element_type3A_2 = arith.extf %convert_element_type3A : vector<128x2048xbf16> to vector<128x2048xf32>
    %sub3A = arith.subf %get3A_1, %convert_element_type3A_2 : vector<128x2048xf32>
    %convert_element_type3A_3 = arith.truncf %sub3A : vector<128x2048xf32> to vector<128x2048xbf16>
    %convert_element_type3A_4 = arith.extf %convert_element_type3A_3 : vector<128x2048xbf16> to vector<128x2048xf32>
    %sub3A_5 = arith.subf %sub3A, %convert_element_type3A_4 : vector<128x2048xf32>
    %convert_element_type3A_6 = arith.truncf %sub3A_5 : vector<128x2048xf32> to vector<128x2048xbf16>
    %get3A_7 = arith.constant 0 : index
    %get3A_8 = arith.constant 0 : index
    %get3A_9 = vector.load %arg1[%get3A_7, %get3A_8] : memref<1024x2048xf32, #tpu.memory_space<vmem>>, vector<1024x2048xf32>
    %convert_element_type3A_10 = arith.truncf %get3A_9 : vector<1024x2048xf32> to vector<1024x2048xbf16>
    %convert_element_type3A_11 = arith.extf %convert_element_type3A_10 : vector<1024x2048xbf16> to vector<1024x2048xf32>
    %sub3A_12 = arith.subf %get3A_9, %convert_element_type3A_11 : vector<1024x2048xf32>
    %convert_element_type3A_13 = arith.truncf %sub3A_12 : vector<1024x2048xf32> to vector<1024x2048xbf16>
    %convert_element_type3A_14 = arith.extf %convert_element_type3A_13 : vector<1024x2048xbf16> to vector<1024x2048xf32>
    %sub3A_15 = arith.subf %sub3A_12, %convert_element_type3A_14 : vector<1024x2048xf32>
    %convert_element_type3A_16 = arith.truncf %sub3A_15 : vector<1024x2048xf32> to vector<1024x2048xbf16>
    %dot_general3A = arith.constant dense<0.000000e+00> : vector<1024x128xf32>
    %dot_general3A_17 = tpu.matmul %convert_element_type3A_10, %convert_element_type3A, %dot_general3A {dimension_numbers = #tpu.dot_dimension_numbers<[1], [1], [0], [0], [0, 0, 1, 0], [], []>, transpose_lhs_hint = false} : vector<1024x2048xbf16>, vector<128x2048xbf16>, vector<1024x128xf32> -> vector<1024x128xf32>
    %dot_general3A_18 = arith.constant dense<0.000000e+00> : vector<1024x128xf32>
    %dot_general3A_19 = tpu.matmul %convert_element_type3A_10, %convert_element_type3A_3, %dot_general3A_18 {dimension_numbers = #tpu.dot_dimension_numbers<[1], [1], [0], [0], [0, 0, 1, 0], [], []>, transpose_lhs_hint = false} : vector<1024x2048xbf16>, vector<128x2048xbf16>, vector<1024x128xf32> -> vector<1024x128xf32>
    %dot_general3A_20 = arith.constant dense<0.000000e+00> : vector<1024x128xf32>
    %dot_general3A_21 = tpu.matmul %convert_element_type3A_13, %convert_element_type3A, %dot_general3A_20 {dimension_numbers = #tpu.dot_dimension_numbers<[1], [1], [0], [0], [0, 0, 1, 0], [], []>, transpose_lhs_hint = false} : vector<1024x2048xbf16>, vector<128x2048xbf16>, vector<1024x128xf32> -> vector<1024x128xf32>
    %add3A = arith.addf %dot_general3A_19, %dot_general3A_21 : vector<1024x128xf32>
    %add3A_22 = arith.addf %dot_general3A_17, %add3A : vector<1024x128xf32>
    %dot_general3A_23 = arith.constant dense<0.000000e+00> : vector<1024x128xf32>
    %dot_general3A_24 = tpu.matmul %convert_element_type3A_13, %convert_element_type3A_3, %dot_general3A_23 {dimension_numbers = #tpu.dot_dimension_numbers<[1], [1], [0], [0], [0, 0, 1, 0], [], []>, transpose_lhs_hint = false} : vector<1024x2048xbf16>, vector<128x2048xbf16>, vector<1024x128xf32> -> vector<1024x128xf32>
    %dot_general3A_25 = arith.constant dense<0.000000e+00> : vector<1024x128xf32>
    %dot_general3A_26 = tpu.matmul %convert_element_type3A_16, %convert_element_type3A, %dot_general3A_25 {dimension_numbers = #tpu.dot_dimension_numbers<[1], [1], [0], [0], [0, 0, 1, 0], [], []>, transpose_lhs_hint = false} : vector<1024x2048xbf16>, vector<128x2048xbf16>, vector<1024x128xf32> -> vector<1024x128xf32>
    %add3A_27 = arith.addf %dot_general3A_24, %dot_general3A_26 : vector<1024x128xf32>
    %dot_general3A_28 = arith.constant dense<0.000000e+00> : vector<1024x128xf32>
    %dot_general3A_29 = tpu.matmul %convert_element_type3A_10, %convert_element_type3A_6, %dot_general3A_28 {dimension_numbers = #tpu.dot_dimension_numbers<[1], [1], [0], [0], [0, 0, 1, 0], [], []>, transpose_lhs_hint = false} : vector<1024x2048xbf16>, vector<128x2048xbf16>, vector<1024x128xf32> -> vector<1024x128xf32>
    %add3A_30 = arith.addf %add3A_27, %dot_general3A_29 : vector<1024x128xf32>
    %add3A_31 = arith.addf %add3A_22, %add3A_30 : vector<1024x128xf32>
    %swap3A = arith.constant 0 : index
    %swap3A_32 = arith.constant 0 : index
    %swap3A_33 = vector.load %arg3[%swap3A, %swap3A_32] : memref<1024x128xf32, #tpu.memory_space<vmem>>, vector<1024x128xf32>
    tpu.vector_store %arg3[%swap3A, %swap3A_32], %add3A_31 {strides = array<i32>} : memref<1024x128xf32, #tpu.memory_space<vmem>>, vector<1024x128xf32>,
    return
  }
  func.func @transform_0(%arg0: i32) -> (i32, i32) {
    %c0_i32 = arith.constant 0 : i32
    %c0_i32_0 = arith.constant 0 : i32
    return %arg0, %c0_i32 : i32, i32
  }
  func.func @transform_1(%arg0: i32) -> (i32, i32) {
    %c0_i32 = arith.constant 0 : i32
    %c0_i32_0 = arith.constant 0 : i32
    %c0_i32_1 = arith.constant 0 : i32
    return %c0_i32, %c0_i32_0 : i32, i32
  }
  func.func @transform_2(%arg0: i32) -> (i32, i32) {
    %c0_i32 = arith.constant 0 : i32
    %c0_i32_0 = arith.constant 0 : i32
    return %arg0, %c0_i32 : i32, i32
  }
}

module attributes {stable_mosaic.version = 14 : i64} {
  func.func @_out_block(%arg0: i32, %arg1: memref<1024x128xf32, #tpu.memory_space<vmem>>, %arg2: memref<128x2048xbf16, #tpu.memory_space<vmem>>, %arg3: memref<1024x2048xf32, #tpu.memory_space<vmem>>) attributes {dimension_semantics = [#tpu.dimension_semantics<arbitrary>], iteration_bounds = array<i64: 16>, scalar_prefetch = 0 : i64, scratch_operands = 0 : i64, tpu.core_type = #tpu.core_type<tc>, window_params = [{transform_indices = @transform_0, window_bounds = array<i64: 1024, 128>}, {pipeline_mode = #tpu.pipeline_mode<synchronous>, transform_indices = @transform_1, window_bounds = array<i64: 128, 2048>}, {transform_indices = @transform_2, window_bounds = array<i64: 1024, 2048>}]} {
    %get3A = arith.constant 0 : index
    %get3A_0 = arith.constant 0 : index
    %get3A_1 = vector.load %arg1[%get3A, %get3A_0] : memref<1024x128xf32, #tpu.memory_space<vmem>>, vector<1024x128xf32>
    %convert_element_type3A = arith.truncf %get3A_1 : vector<1024x128xf32> to vector<1024x128xbf16>
    %get3A_2 = arith.constant 0 : index
    %get3A_3 = arith.constant 0 : index
    %get3A_4 = vector.load %arg2[%get3A_2, %get3A_3] : memref<128x2048xbf16, #tpu.memory_space<vmem>>, vector<128x2048xbf16>
    %dot_general3A = arith.constant dense<0.000000e+00> : vector<1024x2048xf32>
    %dot_general3A_5 = tpu.matmul %convert_element_type3A, %get3A_4, %dot_general3A {dimension_numbers = #tpu.dot_dimension_numbers<[1], [0], [0], [1], [0, 0, 1, 1], [], []>, transpose_lhs_hint = false} : vector<1024x128xbf16>, vector<128x2048xbf16>, vector<1024x2048xf32> -> vector<1024x2048xf32>
    %swap3A = arith.constant 0 : index
    %swap3A_6 = arith.constant 0 : index
    %swap3A_7 = vector.load %arg3[%swap3A, %swap3A_6] : memref<1024x2048xf32, #tpu.memory_space<vmem>>, vector<1024x2048xf32>
    tpu.vector_store %arg3[%swap3A, %swap3A_6], %dot_general3A_5 {strides = array<i32>} : memref<1024x2048xf32, #tpu.memory_space<vmem>>, vector<1024x2048xf32>,
    return
  }
  func.func @transform_0(%arg0: i32) -> (i32, i32) {
    %c0_i32 = arith.constant 0 : i32
    %c0_i32_0 = arith.constant 0 : i32
    return %arg0, %c0_i32 : i32, i32
  }
  func.func @transform_1(%arg0: i32) -> (i32, i32) {
    %c0_i32 = arith.constant 0 : i32
    %c0_i32_0 = arith.constant 0 : i32
    %c0_i32_1 = arith.constant 0 : i32
    return %c0_i32, %c0_i32_0 : i32, i32
  }
  func.func @transform_2(%arg0: i32) -> (i32, i32) {
    %c0_i32 = arith.constant 0 : i32
    %c0_i32_0 = arith.constant 0 : i32
    return %arg0, %c0_i32 : i32, i32
  }
}

</mosaic_0001>

<sc_bundles>
// kernel: kernel.5.cloned.1.call-start
scs
__scs_entry_jumppad:
0x0: {  	(pc) =	sbr.rel $0x88, $3  }
0x1: {  	(tag) =	ssettag $0x0;
	lr =	simm.s32 $0x1  }
0x2: {  	[smem:$0x3F9E] =	sst lr;
	_ =	strace $0xD0000000  }
0x3: {  	_ = 	snop  }
0x4: {  	_ = 	snop  }
0x5: {  	_ = 	snop  }
0x6: {  	_ = 	snop  }
0x7: {  	_ = 	snop  }
__scs_overlays_trampoline_lowered:
0x8: {  	[smem:$0x3FAD] =	sst s0  }
0x9: {  	[smem:$0x3FAE] =	sst s1  }
0xa: {  	[smem:$0x3FAF] =	sst s2  }
0xb: {  	[smem:$0x3FB0] =	sst s3  }
0xc: {  	[smem:$0x3FB1] =	sst s4  }
0xd: {  	[smem:$0x3FB2] =	sst s5  }
0xe: {  	[smem:$0x3FB3] =	sst s6  }
0xf: {  	[smem:$0x3FB4] =	sst s7  }
0x10: {  	[smem:$0x3FB5] =	sst s8  }
0x11: {  	[smem:$0x3FB6] =	sst s9;
	s0 =	simm.s32 @!p0 $0x0  }
0x12: {  	s1 =	sld [smem:$0x3F9C];
	s0 =	simm.s32 @p0 $0x1  }
0x13: {  	[smem:$0x3FB7] =	sst s0;
	s0 =	simm.s32 @!p1 $0x0  }
0x14: {  	s2 =	sld [smem:$0x3F9B];
	s0 =	simm.s32 @p1 $0x1  }
0x15: {  	[smem:$0x3FB8] =	sst s0;
	s0 =	simm.s32 @!p2 $0x0  }
0x16: {  	s3 =	sld [smem:$0x3FDB];
	s0 =	simm.s32 @p2 $0x1  }
0x17: {  	s4 =	simm.s32 $0x1BF5;
	[smem:$0x3FBA] =	sst s0  }
0x18: {  	s0 =	sld [smem:$0x3F9D];
	_ =	swait.ge [sflag:s4], $0x0  }
0x19: {  	s7 =	sld [smem:$0x3F9E]  }
0x1a: {  	s8 =	sadd.s32 $0xFFFFE003, lr  }
0x1b: {  	s9 =	sadd.s32 $0xFFFFFEF7, lr;
	s5 =	simm.s32 $0xFFFFFFFF;
	p2 =	slt.u32 s8, $0xFFFFF086  }
0x1c: {  	p1 =	slt.u32 s9, $0xF7A;
	s5 =	simm.s32 @!p2 $0x0  }
0x1d: {  	s5 =	simm.s32 @p1 $0x1;
	p0 =	seq.s32 s7, s2  }
0x1e: {  	s7 =	smul.u32 @!p0 $0xF7A, s2;
	p2 =	seq.s32 @!p0 s5, $0x0  }
0x1f: {  	s9 =	smul.u32 $0xF7A, s1;
	s8 =	simm.s32 @!p0 $0x1BF5;
	p2 =	por !p2, p0  }
0x20: {  	[sflag:s8] =	ssyncset.s32 @!p0 $0xFFFFF086;
	s6 =	sadd.s32 @!p0 s3, s7;
	s7 =	simm.s32 @!p0 $0x108  }
0x21: {  	s3 =	sadd.s32 s3, s9;
	s6 =	sadd.s32 @!p0 $0x88, s6;
	s7 =	simm.s32 @p2 $0x1082  }
0x22: {  	[simem:s7], [sflag:s8] =	dma.local @!p0 [hbm:s6], $0xF7A  }
0x23: {  	s9 =	sor.u32 $0xD0000000, s2;
	s6 =	simm.s32 $0x108;
	_ =	swait.ge @!p0 [sflag:s8], $0x0  }
0x24: {  	s3 =	sadd.s32 $0x88, s3;
	s6 =	simm.s32 @!p1 $0x1082;
	[sflag:s4] =	ssyncset.s32 $0xFFFFF086  }
0x25: {  	[simem:s6], [sflag:s4] =	dma.local [hbm:s3], $0xF7A  }
0x26: {  	[smem:$0x3F9E] =	sst s1;
	(tag) =	ssettag s2;
	_ =	strace s9  }
0x27: {  	s1 =	sld [smem:$0x3FAE]  }
0x28: {  	s2 =	sld [smem:$0x3FAF]  }
0x29: {  	s4 =	sld [smem:$0x3FB1]  }
0x2a: {  	p0 =	seq.s32 s5, $0x0;
	s5 =	sld [smem:$0x3FB2]  }
0x2b: {  	s6 =	sld [smem:$0x3FB3]  }
0x2c: {  	s7 =	sld [smem:$0x3FB4]  }
0x2d: {  	s3 =	simm.s32 $0x108;
	s8 =	sld [smem:$0x3FB5]  }
0x2e: {  	s3 =	simm.s32 @!p0 $0x1082;
	s9 =	sld [smem:$0x3FB6]  }
0x2f: {  	lr =	sadd.s32 s0, s3;
	s0 =	sld [smem:$0x3FAD]  }
0x30: {  	s3 =	sld [smem:$0x3FB0]  }
0x31: {  	[smem:$0x3FB9] =	sst s10  }
0x32: {  	s10 =	sld [smem:$0x3FB7];
	_ =	sdelay $0x3  }
0x33: {  	p0 =	seq.s32 s10, $0x1;
	s10 =	sld [smem:$0x3FB9];
	_ =	sdelay $0x3  }
0x34: {  	[smem:$0x3FB9] =	sst s10  }
0x35: {  	s10 =	sld [smem:$0x3FB8];
	_ =	sdelay $0x3  }
0x36: {  	p1 =	seq.s32 s10, $0x1;
	s10 =	sld [smem:$0x3FB9];
	_ =	sdelay $0x3  }
0x37: {  	[smem:$0x3FB9] =	sst s10  }
0x38: {  	s10 =	sld [smem:$0x3FBA]  }
0x39: {  	_ = 	snop;
	(pc) =	sbr.ind lr, $3  }
0x3a: {  	_ = 	snop  }
0x3b: {  	_ = 	snop  }
0x3c: {  	p2 =	seq.s32 s10, $0x1;
	s10 =	sld [smem:$0x3FB9]  }
0x3d: {  	_ =	shalt  }
0x3e: {  	_ =	shalt  }
0x3f: {  	_ =	shalt  }
0x40: {  	_ =	shalt  }
0x41: {  	_ =	shalt  }
0x42: {  	_ =	shalt  }
0x43: {  	_ =	shalt  }
0x44: {  	_ =	shalt  }
0x45: {  	_ =	shalt  }
0x46: {  	_ =	shalt  }
0x47: {  	_ =	shalt  }
0x48: {  	_ =	shalt  }
0x49: {  	_ =	shalt  }
0x4a: {  	_ =	shalt  }
0x4b: {  	_ =	shalt  }
0x4c: {  	_ =	shalt  }
0x4d: {  	_ =	shalt  }
0x4e: {  	_ =	shalt  }
0x4f: {  	_ =	shalt  }
0x50: {  	_ =	shalt  }
0x51: {  	_ =	shalt  }
0x52: {  	_ =	shalt  }
0x53: {  	_ =	shalt  }
0x54: {  	_ =	shalt  }
0x55: {  	_ =	shalt  }
0x56: {  	_ =	shalt  }
0x57: {  	_ =	shalt  }
0x58: {  	_ =	shalt  }
0x59: {  	_ =	shalt  }
0x5a: {  	_ =	shalt  }
0x5b: {  	_ =	shalt  }
0x5c: {  	_ =	shalt  }
0x5d: {  	_ =	shalt  }
0x5e: {  	_ =	shalt  }
0x5f: {  	_ =	shalt  }
0x60: {  	_ =	shalt  }
0x61: {  	_ =	shalt  }
0x62: {  	_ =	shalt  }
0x63: {  	_ =	shalt  }
0x64: {  	_ =	shalt  }
0x65: {  	_ =	shalt  }
0x66: {  	_ =	shalt  }
0x67: {  	_ =	shalt  }
0x68: {  	_ =	shalt  }
0x69: {  	_ =	shalt  }
0x6a: {  	_ =	shalt  }
0x6b: {  	_ =	shalt  }
0x6c: {  	_ =	shalt  }
0x6d: {  	_ =	shalt  }
0x6e: {  	_ =	shalt  }
0x6f: {  	_ =	shalt  }
0x70: {  	_ =	shalt  }
0x71: {  	_ =	shalt  }
0x72: {  	_ =	shalt  }
0x73: {  	_ =	shalt  }
0x74: {  	_ =	shalt  }
0x75: {  	_ =	shalt  }
0x76: {  	_ =	shalt  }
0x77: {  	_ =	shalt  }
0x78: {  	_ =	shalt  }
0x79: {  	_ =	shalt  }
0x7a: {  	_ =	shalt  }
0x7b: {  	_ =	shalt  }
0x7c: {  	_ =	shalt  }
0x7d: {  	_ =	shalt  }
0x7e: {  	_ =	shalt  }
0x7f: {  	_ =	shalt  }
0x80: {  	_ =	shalt  }
0x81: {  	_ =	shalt  }
0x82: {  	_ =	shalt  }
0x83: {  	_ =	shalt  }
0x84: {  	_ =	shalt  }
0x85: {  	_ =	shalt  }
0x86: {  	_ =	shalt  }
0x87: {  	_ =	shalt  }
.Lfunc_end0:
.L_simem_size_0:
called_computation_lowered:
.L_overlay_start_0:
0x88: {  	s2 =	sld [smem:$0x3FD9]  }
0x89: {  	s3 =	sld [smem:$0x3FFE];
	_ =	sdelay $0x1  }
0x8a: {  	s1 =	srdreg.scid  }
0x8b: {  	s0 =	sand.u32 $0x1, s1  }
0x8c: {  	s17 =	sshll.u32 s0, $0xA;
	s2 =	sadd.s32 s3, s2  }
0x8d: {  	s2 =	sadd.s32 s2, s17  }
0x8e: {  	[smem:$0x3FC5] =	sst s2  }
0x8f: {  	_ = 	snop  }
0x90: {  	s2 =	sld [smem:$0x3FD0];
	(tm) =	ssettm $0x1  }
0x91: {  	s18 =	sld [smem:$0x3FFB];
	_ =	sdelay $0x3  }
0x92: {  	_ =	strace s18  }
0x93: {  	s3 =	sld [smem:$0x3FFC];
	_ =	sdelay $0x3  }
0x94: {  	_ =	strace s3  }
0x95: {  	s3 =	sld [smem:$0x3FFD];
	_ =	sdelay $0x3  }
0x96: {  	_ =	strace s3  }
0x97: {  	_ =	strace $0x8FFFFFFF  }
0x98: {  	s19 =	sld [smem:$0x3FDB];
	_ =	sdelay $0x1  }
0x99: {  	s4 =	simm.s32 $_scs_section_size  }
0x9a: {  	s5 =	simm.s32 $_size__tile_overlayer_lowered;
	s6 =	simm.s32 $_tile_overlayer_lowered  }
0x9b: {  	s22 =	simm.s32 $0x1BFF;
	s21 =	sshll.u32 s6, $0x1;
	s3 =	sadd.s32 s4, s19  }
0x9c: {  	s7 =	simm.s32 $0x0;
	s20 =	sshll.u32 s5, $0x1;
	s5 =	sadd.s32 s21, s3  }
0x9d: {  	[timem:s7], [sflag:s22] =	dma.local [hbm:s5], s20  }
0x9e: {  	_ =	swait.ge [sflag:s22], s20  }
0x9f: {  	s4 =	ssub.s32 $0x0, s20;
	[sflag:s22] =	ssyncset.done $0x0  }
0xa0: {  	[sflag:s22] =	ssyncadd.s32 s4;
	_ =	sdelay $0x1  }
0xa1: {  	s23 =	simm.s32 $0x1B8B  }
0xa2: {  	_ =	swait.ge [sflag:s23], $0x1  }
0xa3: {  	[sflag:s23] =	ssyncset.done $0x0  }
0xa4: {  	s25 =	simm.s32 $0x1B8E;
	s24 =	sld [smem:$0x3FFE];
	[sflag:s23] =	ssyncadd.s32 $0xFFFFFFFF  }
0xa5: {  	s26 =	simm.s32 $execute0_lowered;
	[smem:$0x3FD2] =	sst s25  }
0xa6: {  	s5 =	sshll.u32 s26, $0x1;
	_ =	strace $0x80000046;
	[dreg:$0x1] =	wrdreg $0xFFFFFFFF  }
0xa7: {  	s28 =	simm.s32 $_size_execute0_lowered;
	s3 =	sadd.s32 s3, s5;
	[dreg:$0x0] =	wrdreg $0x0  }
0xa8: {  	s5 =	sshll.u32 s28, $0x1;
	[dreg:$0x2] =	wrdreg s3  }
0xa9: {  	[dreg:$0x3] =	wrdreg s5  }
0xaa: {  	[dreg:$0x4] =	wrdreg $0xC0  }
0xab: {  	_ =	task [dreg:s7], $0x5FFFF  }
0xac: {  	[dreg:$0x1] =	wrdreg $0xFFFFFFFF  }
0xad: {  	[dreg:$0x0] =	wrdreg $0x60  }
0xae: {  	[dreg:$0x2] =	wrdreg s2  }
0xaf: {  	[dreg:$0x3] =	wrdreg s24  }
0xb0: {  	[dreg:$0x4] =	wrdreg $0x9  }
0xb1: {  	_ =	task.clear_ibuf [dreg:s7], $0x5FFFF;
	_ =	strace $0x90000046  }
0xb2: {  	s29 =	simm.s32 $0x9;
	_ =	strace $0x80000048  }
0xb3: {  	_ =	swait.ge [sflag:s29], $0x1  }
0xb4: {  	[sflag:s29] =	ssyncadd.s32 $0xFFFFFFFF  }
0xb5: {  	_ =	strace $0x90000048  }
0xb6: {  	_ =	sfence  }
0xb7: {  	s30 =	sld [smem:$0x0];
	_ =	sdelay $0x2  }
0xb8: {  	s31 =	sshll.u32 s1, $0xD;
	s1 =	sshrl.u32 s1, $0x2  }
0xb9: {  	s3 =	sand.u32 $0x4000, s31;
	s1 =	sadd.s32 s1, s30  }
0xba: {  	s0 =	sor.u32 s3, s0;
	s1 =	sshll.u32 s1, $0x11  }
0xbb: {  	s0 =	sor.u32 s1, s0  }
0xbc: {  	s0 =	sadd.s32 $0x8F2B, s0  }
0xbd: {  	[sflag:s0] =	ssyncadd.remote.s32 $0x1  }
0xbe: {  	_ =	sfence.sel $0xFFFF  }
0xbf: {  	[dreg:$0x0] =	wrdreg $0xFFFFFFFF;
	(pc) =	sbr.abs _section_cstart, $3  }
0xc0: {  	[dreg:$0x1] =	wrdreg $0xFFFFFFFF  }
0xc1: {  	_ =	task.clear_ibuf [dreg:s7], $0x2FFFF;
	_ =	strace $0x9FFFFFFF  }
0xc2: {  	(tm) =	ssettm $0x7FFFFFFF  }
0xc3: {  	_ =	shalt  }
tec
execute0_lowered:
.L_overlay_start_1:
0x0: {  	(tag) =	ssettag $0x1  }
0x1: {  	s5 =	rddreg [dreg:$0x0]  }
0x2: {  	s3 =	rddreg [dreg:$0x1]  }
0x3: {  	s0 =	rddreg [dreg:$0x2];
	s1 =	simm.s32 $0x0  }
0x4: {  	s2 =	srdreg.scid;
	s10 =	simm.s32 $0x0;
	[smem:$0x7FF] =	sst s1  }
0x5: {  	s4 =	sand.u32 $0x1, s2;
	s2 =	stileid.u32;
	s9 =	sadd.s32 $0xA00, s3  }
0x6: {  	s6 =	ssub.s32 $0x2, s4;
	s8 =	sshll.u32 s2, $0xE;
	s4 =	sshll.u32 s4, $0xD  }
0x7: {  	_ =	strace $0x80000047;
	s7 =	sshrl.u32 s6, $0x1;
	s31 =	sor.u32 s4, s8  }
0x8: {  	s8 =	simm.s32 $0x1;
	s7 =	ssub.s32 s6, s7;
	s6 =	sor.u32 $0x1000, s31  }
0x9: {  	v0 =	vimm.f32 $0.0e+00;
	v1 =	vlaneseq.u32;
	s3 =	sadd.s32 s5, s31;
	s4 =	sadd.s32 s9, s31;
	s5 =	sadd.s32 s5, s6  }
0xa: {  	v2 =	vimm.s32 $0x1;
	v3 =	vimm.s32 $0x0;
	v1 =	vmul.u32 $0x80, v1;
	s6 =	sadd.s32 s9, s6;
	s7 =	smax.u32 s7, $0x1;
	s9 =	simm.s32 $0x8000  }
.LBB2_1:
0xb: {  	s11 =	simm.s32 $0x40;
	s12 =	simm.s32 $0x0  }
.LBB2_2:
0xc: {  	p0 =	sne.s32 s11, $0x1FFC0;
	[tilespmem:s12+$0x8000] =	vst v0;
	s12 =	smov.u32 s11;
	s11 =	sadd.s32 $0x40, s11  }
.Ltmp0:
0xd: {  	(pc) =	sbr.rel @p0 .LBB2_2-.Ltmp0, $2  }
0xe: {  	_ =	sdelay $0x2  }
0xf: {  	s12 =	sshra.s32 s12, $0x2  }
0x10: {  	[tilespmem:s12+$0x8000] =	vst v0;
	s11 =	simm.s32 $0x0  }
0x11: {  	[tilespmem:s11], [sflag:$0x1] =	stream.linear.gather [hbm4b:s3+s11], $0x8000, $0x38;
	[tilespmem:$0x10000] =	vst v63  }
0x12: {  	_ =	swait.ge [sflag:s8], $0x8000  }
0x13: {  	[sflag:s8] =	ssyncset.done $0x0  }
0x14: {  	[sflag:s8] =	ssyncadd.s32 $0xFFFF8000  }
.LBB2_4:
0x15: {  	v4 =	vmov s11  }
0x16: {  	v4 =	vshll.u32 v4, $0x7  }
0x17: {  	v4 =	vor.u32 v1, v4;
	_ =	sdelay $0x4  }
0x18: {  	v5 =	vld.idx.msk [tilespmem:v4+s1+$0x0], $0xffff;
	_ =	sdelay $0x4  }
0x19: {  	vm0 =	vgt.f32 v5, $0.0e+00  }
0x1a: {  	v6 =	vsel vm0, $0x2, v2  }
0x1b: {  	v7 =	vor.u32 v4, v6;
	_ =	sdelay $0x2  }
0x1c: {  	v5 =	vmax.f32 v5, $0.0e+00  }
0x1d: {  	[tilespmem:v4+s9+$0x0] =	vst.idx.msk $0xffff, v5  }
0x1e: {  	v5 =	vld.idx.msk [tilespmem:v7+s1+$0x0], $0xffff;
	_ =	sdelay $0x4  }
0x1f: {  	vm13 =	vgt.f32 v5, $0.0e+00  }
0x20: {  	v6 =	vshll.u32 v6, $0x1;
	v8 =	vsel vm13, $0x1, v3  }
0x21: {  	v6 =	vor.u32 v6, v8  }
0x22: {  	v6 =	vadd.s32 $0x1, v6  }
0x23: {  	v60 =	vor.u32 v4, v6;
	_ =	sdelay $0x2  }
0x24: {  	v5 =	vmax.f32 v5, $0.0e+00  }
0x25: {  	[tilespmem:v7+s9+$0x0] =	vst.idx.msk $0xffff, v5  }
0x26: {  	v5 =	vld.idx.msk [tilespmem:v60+s1+$0x0], $0xffff;
	_ =	sdelay $0x4  }
0x27: {  	vm14 =	vgt.f32 v5, $0.0e+00  }
0x28: {  	v6 =	vshll.u32 v6, $0x1;
	v61 =	vsel vm14, $0x1, v3  }
0x29: {  	v6 =	vor.u32 v6, v61  }
0x2a: {  	v6 =	vadd.s32 $0x1, v6  }
0x2b: {  	v62 =	vadd.s32 v4, v6;
	_ =	sdelay $0x2  }
0x2c: {  	v5 =	vmax.f32 v5, $0.0e+00  }
0x2d: {  	[tilespmem:v60+s9+$0x0] =	vst.idx.msk $0xffff, v5  }
0x2e: {  	v5 =	vld.idx.msk [tilespmem:v62+s1+$0x0], $0xffff;
	_ =	sdelay $0x4  }
0x2f: {  	vm15 =	vgt.f32 v5, $0.0e+00  }
0x30: {  	v63 =	vsel vm15, $0x1, v3  }
0x31: {  	v6 =	vshll.u32 v6, $0x1;
	v4 =	vor.u32 v4, v63  }
0x32: {  	v4 =	vadd.s32 v6, v4  }
0x33: {  	v4 =	vadd.s32 $0x1, v4;
	_ =	sdelay $0x2  }
0x34: {  	v5 =	vmax.f32 v5, $0.0e+00  }
0x35: {  	[tilespmem:v62+s9+$0x0] =	vst.idx.msk $0xffff, v5  }
0x36: {  	v5 =	vld.idx.msk [tilespmem:v4+s1+$0x0], $0xffff  }
0x37: {  	p0 =	sne.s32 s11, $0xF0  }
.Ltmp1:
0x38: {  	_ = 	snop;
	(pc) =	sbr.rel @p0 .LBB2_4-.Ltmp1, $3  }
0x39: {  	_ =	sdelay $0x1  }
0x3a: {  	v5 =	vmax.f32 v5, $0.0e+00  }
0x3b: {  	s11 =	sadd.s32 $0x10, s11;
	[tilespmem:v4+s9+$0x0] =	vst.idx.msk $0xffff, v5  }
0x3c: {  	s11 =	simm.s32 $0x0  }
0x3d: {  	[hbm4b:s4+s11] =	stream.linear.scatter [tilespmem:s9], [sflag:$0x1], $0x8000, $0x38;
	[tilespmem:$0x10000] =	vst v63  }
0x3e: {  	_ =	swait.ge [sflag:s8], $0x8000  }
0x3f: {  	[sflag:s8] =	ssyncset.done $0x0  }
0x40: {  	[sflag:s8] =	ssyncadd.s32 $0xFFFF8000  }
0x41: {  	[tilespmem:s11], [sflag:$0x1] =	stream.linear.gather [hbm4b:s5+s11], $0x8000, $0x38;
	[tilespmem:$0x10000] =	vst v63  }
0x42: {  	_ =	swait.ge [sflag:s8], $0x8000  }
0x43: {  	[sflag:s8] =	ssyncset.done $0x0  }
0x44: {  	s12 =	simm.s32 $0x200;
	s13 =	simm.s32 $0x0;
	[sflag:s8] =	ssyncadd.s32 $0xFFFF8000  }
.LBB2_6:
0x45: {  	p0 =	sne.s32 s12, $0x1FE00;
	[tilespmem:s13+$0x8000] =	vst v0;
	s14 =	smov.u32 s12;
	s12 =	sadd.s32 $0x200, s12  }
.Ltmp2:
0x46: {  	[tilespmem:s13+$0x8010] =	vst v0;
	(pc) =	sbr.rel @p0 .LBB2_6-.Ltmp2, $2  }
0x47: {  	_ =	sdelay $0x2  }
0x48: {  	s13 =	sshra.s32 s14, $0x2  }
0x49: {  	[tilespmem:s13+$0x8000] =	vst v0  }
0x4a: {  	[tilespmem:s13+$0x8010] =	vst v0  }
.LBB2_8:
0x4b: {  	v4 =	vmov s11  }
0x4c: {  	v4 =	vshll.u32 v4, $0x7  }
0x4d: {  	v4 =	vor.u32 v1, v4;
	_ =	sdelay $0x4  }
0x4e: {  	v5 =	vld.idx.msk [tilespmem:v4+s1+$0x0], $0xffff;
	_ =	sdelay $0x4  }
0x4f: {  	vm0 =	vgt.f32 v5, $0.0e+00  }
0x50: {  	v6 =	vsel vm0, $0x2, v2  }
0x51: {  	v7 =	vor.u32 v4, v6;
	_ =	sdelay $0x2  }
0x52: {  	v5 =	vmax.f32 v5, $0.0e+00  }
0x53: {  	[tilespmem:v4+s9+$0x0] =	vst.idx.msk $0xffff, v5  }
0x54: {  	v5 =	vld.idx.msk [tilespmem:v7+s1+$0x0], $0xffff;
	_ =	sdelay $0x4  }
0x55: {  	vm13 =	vgt.f32 v5, $0.0e+00  }
0x56: {  	v6 =	vshll.u32 v6, $0x1;
	v8 =	vsel vm13, $0x1, v3  }
0x57: {  	v6 =	vor.u32 v6, v8  }
0x58: {  	v6 =	vadd.s32 $0x1, v6  }
0x59: {  	v60 =	vor.u32 v4, v6;
	_ =	sdelay $0x2  }
0x5a: {  	v5 =	vmax.f32 v5, $0.0e+00  }
0x5b: {  	[tilespmem:v7+s9+$0x0] =	vst.idx.msk $0xffff, v5  }
0x5c: {  	v5 =	vld.idx.msk [tilespmem:v60+s1+$0x0], $0xffff;
	_ =	sdelay $0x4  }
0x5d: {  	vm14 =	vgt.f32 v5, $0.0e+00  }
0x5e: {  	v6 =	vshll.u32 v6, $0x1;
	v61 =	vsel vm14, $0x1, v3  }
0x5f: {  	v6 =	vor.u32 v6, v61  }
0x60: {  	v6 =	vadd.s32 $0x1, v6  }
0x61: {  	v62 =	vadd.s32 v4, v6;
	_ =	sdelay $0x2  }
0x62: {  	v5 =	vmax.f32 v5, $0.0e+00  }
0x63: {  	[tilespmem:v60+s9+$0x0] =	vst.idx.msk $0xffff, v5  }
0x64: {  	v5 =	vld.idx.msk [tilespmem:v62+s1+$0x0], $0xffff;
	_ =	sdelay $0x4  }
0x65: {  	vm15 =	vgt.f32 v5, $0.0e+00  }
0x66: {  	v63 =	vsel vm15, $0x1, v3  }
0x67: {  	v6 =	vshll.u32 v6, $0x1;
	v4 =	vor.u32 v4, v63  }
0x68: {  	v4 =	vadd.s32 v6, v4  }
0x69: {  	v4 =	vadd.s32 $0x1, v4;
	_ =	sdelay $0x2  }
0x6a: {  	v5 =	vmax.f32 v5, $0.0e+00  }
0x6b: {  	[tilespmem:v62+s9+$0x0] =	vst.idx.msk $0xffff, v5  }
0x6c: {  	v5 =	vld.idx.msk [tilespmem:v4+s1+$0x0], $0xffff  }
0x6d: {  	p0 =	sne.s32 s11, $0xF0  }
.Ltmp3:
0x6e: {  	_ = 	snop;
	(pc) =	sbr.rel @p0 .LBB2_8-.Ltmp3, $3  }
0x6f: {  	_ =	sdelay $0x1  }
0x70: {  	v5 =	vmax.f32 v5, $0.0e+00  }
0x71: {  	s11 =	sadd.s32 $0x10, s11;
	[tilespmem:v4+s9+$0x0] =	vst.idx.msk $0xffff, v5  }
0x72: {  	s10 =	sadd.s32 $0x1, s10  }
0x73: {  	p0 =	sne.s32 s10, s7  }
.Ltmp4:
0x74: {  	_ = 	snop;
	(pc) =	sbr.rel @p0 .LBB2_1-.Ltmp4, $4  }
0x75: {  	[hbm4b:s6+s1] =	stream.linear.scatter [tilespmem:s9], [sflag:$0x1], $0x8000, $0x38;
	[tilespmem:$0x10000] =	vst v63  }
0x76: {  	_ =	swait.ge [sflag:s8], $0x8000  }
0x77: {  	[sflag:s8] =	ssyncset.done $0x0  }
0x78: {  	[sflag:s8] =	ssyncadd.s32 $0xFFFF8000  }
0x79: {  	_ =	sfence.sel $0x180000  }
0x7a: {  	[bflag:$0x0] =	sbarrier.arrive $0xFFFF  }
0x7b: {  	p0 =	sne.s32 s2, $0x0;
	_ =	strace $0x90000047  }
0x7c: {  	s0 =	sadd.s32 @!p0 $0x100000, s0;
	[bflag:$0x2] =	sbarrier.arrive $0xFFFF  }
0x7d: {  	[sflag:s0] =	ssyncadd.tile.s32 @!p0 $0x1;
	_ =	shalt  }
.Lfunc_end2:
_tile_overlayer_lowered:
.L_overlay_start_2:
0x7e: {  	(tag) =	ssettag $0x2  }
0x7f: {  	s0 =	rddreg [dreg:$0x0];
	s2 =	stileid.u32  }
0x80: {  	s1 =	rddreg [dreg:$0x1];
	p0 =	sne.s32 s2, $0x0  }
0x81: {  	s3 =	rddreg [dreg:$0x2];
	[bflag:$0x3] =	sbarrier.arrive $0xFFFF;
	s2 =	simm.s32 @!p0 $0x1C01  }
0x82: {  	[timem:s3], [sflag:s2] =	dma.local @!p0 [hbm:s0], s1  }
0x83: {  	s0 =	simm.s32 @!p0 $0x1  }
0x84: {  	_ =	swait.ge @!p0 [sflag:s0], s1  }
0x85: {  	s1 =	ssub.s32 @!p0 $0x0, s1;
	[sflag:s0] =	ssyncset.done @!p0 $0x0  }
0x86: {  	[sflag:s0] =	ssyncadd.s32 @!p0 s1  }
0x87: {  	[bflag:$0x3] =	sbarrier.arrive $0xFFFF  }
0x88: {  	_ =	shalt  }

</sc_bundles>
